<compile_context>
chip_gen: v7x
topology: tpu7x:2x2x1
jax: 0.10.2.dev20260603
libtpu: 0.0.44.dev20260713+nightly
codegen_flags: <defaults>
</compile_context>

<pallas_src>
import jax
import jax.numpy as jnp
from jax import lax
from jax.experimental import pallas as pl
from jax.experimental.pallas import tpu as pltpu
from jax.experimental.pallas import tpu_sc as plsc

B = 16384
D = 64
DP = 128
L = 16
NC = 2
NS = 16
NW = NC * NS
PW = B // NW
CH = 128
NCH = PW // CH


def _rsqrt(x):
    i = lax.bitcast_convert_type(x, jnp.int32)
    i = jnp.int32(0x5F3759DF) - lax.shift_right_arithmetic(i, 1)
    y = lax.bitcast_convert_type(i, jnp.float32)
    for _ in range(3):
        t = (x * y) * y
        y = y * (jnp.float32(1.5) - jnp.float32(0.5) * t)
    return y


def _lane_sum(v, iot):
    for s in (1, 2, 4, 8):
        v = v + jnp.take_along_axis(v, iot ^ s, axis=0,
                                    mode="promise_in_bounds")
    return v


def _body(head_hbm, tail_hbm, rel_hbm, ent_hbm, remb_hbm, out_hbm,
          idx_h, idx_t, idx_r, rows_h, rows_t, rows_r, out_v, sem):
    wid = lax.axis_index("s") * NC + lax.axis_index("c")

    pltpu.sync_copy(head_hbm.at[wid], idx_h)
    pltpu.sync_copy(tail_hbm.at[wid], idx_t)
    pltpu.sync_copy(rel_hbm.at[wid], idx_r)

    iot = lax.iota(jnp.int32, L)
    lane0 = iot == 0

    def chunk(c, carry):
        cp_h = pltpu.async_copy(ent_hbm.at[idx_h.at[c]], rows_h, sem)
        cp_t = pltpu.async_copy(ent_hbm.at[idx_t.at[c]], rows_t, sem)
        cp_r = pltpu.async_copy(remb_hbm.at[idx_r.at[c]], rows_r, sem)
        cp_h.wait()
        cp_t.wait()
        cp_r.wait()

        def tri(i, carry2):
            h = [rows_h[i, pl.ds(k * L, L)] for k in range(D // L)]
            t = [rows_t[i, pl.ds(k * L, L)] for k in range(D // L)]
            r = [rows_r[i, pl.ds(k * L, L)] for k in range(D // L)]
            hh = h[0] * h[0] + h[1] * h[1] + h[2] * h[2] + h[3] * h[3]
            tt = t[0] * t[0] + t[1] * t[1] + t[2] * t[2] + t[3] * t[3]
            ih = jnp.minimum(_rsqrt(_lane_sum(hh, iot)), jnp.float32(1e12))
            it = jnp.minimum(_rsqrt(_lane_sum(tt, iot)), jnp.float32(1e12))
            acc = jnp.abs(h[0] * ih + r[0] - t[0] * it)
            for k in range(1, D // L):
                acc = acc + jnp.abs(h[k] * ih + r[k] - t[k] * it)
            res = _lane_sum(acc, iot)
            plsc.store_scatter(out_v, [jnp.full((L,), c * CH + i, jnp.int32)],
                               res, mask=lane0)
            return carry2

        lax.fori_loop(0, CH, tri, 0)
        return carry

    lax.fori_loop(0, NCH, chunk, 0)
    pltpu.sync_copy(out_v, out_hbm.at[pl.ds(wid * PW, PW)])


def kernel(triples, entity_embeddings, relation_embeddings):
    tr = triples.astype(jnp.int32)
    heads = tr[:, 0].reshape(NW, NCH, CH)
    tails = tr[:, 1].reshape(NW, NCH, CH)
    rels = tr[:, 2].reshape(NW, NCH, CH)
    ent_p = jnp.pad(entity_embeddings, ((0, 0), (0, DP - D)))
    rel_p = jnp.pad(relation_embeddings, ((0, 0), (0, DP - D)))
    mesh = plsc.VectorSubcoreMesh(core_axis_name="c", subcore_axis_name="s")
    f = pl.kernel(
        _body,
        out_type=jax.ShapeDtypeStruct((B,), jnp.float32),
        mesh=mesh,
        compiler_params=pltpu.CompilerParams(
            needs_layout_passes=False, use_tc_tiling_on_sc=False),
        scratch_types=[
            pltpu.VMEM((NCH, CH), jnp.int32),
            pltpu.VMEM((NCH, CH), jnp.int32),
            pltpu.VMEM((NCH, CH), jnp.int32),
            pltpu.VMEM((CH, DP), jnp.float32),
            pltpu.VMEM((CH, DP), jnp.float32),
            pltpu.VMEM((CH, DP), jnp.float32),
            pltpu.VMEM((PW,), jnp.float32),
            pltpu.SemaphoreType.DMA,
        ],
    )
    return f(heads, tails, rels, ent_p, rel_p)

# --- scband reference (transcript-rebuilt; emitter-appended) ---
"""Pipeline reference for scband-trans-e-71459665871395 (READ-ONLY COPY).

The authoritative reference and input builder live on the scoring server;
editing this copy changes nothing except your own understanding.
"""

import jax, jax.numpy as jnp
import numpy as np


def _l2_normalize(x, eps=1e-12):
    n = jnp.linalg.norm(x, ord=2, axis=-1, keepdims=True)
    n = jnp.maximum(n, eps)
    return x / n


def setup_inputs(seed: int = 0) -> dict:
    key = jax.random.key(seed)
    k1, k2, k3 = jax.random.split(key, 3)
    triples = jax.random.randint(k1, (16384, 3), 0, 1000000, dtype=jnp.int64)
    entity_embeddings = jax.random.normal(k2, (1000000, 64), dtype=jnp.float32)
    relation_embeddings = jax.random.normal(k3, (1000000, 64), dtype=jnp.float32)
    return {
        "triples": triples,
        "entity_embeddings": entity_embeddings,
        "relation_embeddings": relation_embeddings,
    }


def reference(triples, entity_embeddings, relation_embeddings):
    norm_ord = 1
    head_entities = triples[..., 0]
    tail_entities = triples[..., 1]
    relations = triples[..., 2]
    head_features = jnp.take(entity_embeddings, head_entities, axis=0)
    tail_features = jnp.take(entity_embeddings, tail_entities, axis=0)
    relation_features = jnp.take(relation_embeddings, relations, axis=0)
    head_features = _l2_normalize(head_features)
    tail_features = _l2_normalize(tail_features)
    difference = head_features + relation_features - tail_features
    return jnp.linalg.norm(difference, ord=norm_ord, axis=-1)

if __name__ == "__main__":
    import jax
    _d = setup_inputs()
    print(jax.jit(kernel)(*tuple(_d.values())))

</pallas_src>

<mosaic_0001>
#map = affine_map<(d0, d1) -> (0, 0, 0)>
#map1 = affine_map<(d0, d1) -> (0, 0)>
#map2 = affine_map<(d0, d1) -> (0)>
module attributes {stable_mosaic.version = 14 : i64} {
  func.func @_body(%arg0: i32, %arg1: i32, %arg2: memref<32x4x128xi32, #tpu.memory_space<hbm>>, %arg3: memref<32x4x128xi32, #tpu.memory_space<hbm>>, %arg4: memref<32x4x128xi32, #tpu.memory_space<hbm>>, %arg5: memref<1000000x128xf32, #tpu.memory_space<hbm>>, %arg6: memref<1000000x128xf32, #tpu.memory_space<hbm>>, %arg7: memref<16384xf32, #tpu.memory_space<hbm>>, %arg8: memref<4x128xi32, #tpu.memory_space<vmem>>, %arg9: memref<4x128xi32, #tpu.memory_space<vmem>>, %arg10: memref<4x128xi32, #tpu.memory_space<vmem>>, %arg11: memref<128x128xf32, #tpu.memory_space<vmem>>, %arg12: memref<128x128xf32, #tpu.memory_space<vmem>>, %arg13: memref<128x128xf32, #tpu.memory_space<vmem>>, %arg14: memref<512xf32, #tpu.memory_space<vmem>>, %arg15: memref<!tpu.dma_semaphore, #tpu.memory_space<semaphore_mem>>) attributes {dimension_semantics = [#tpu.dimension_semantics<core_parallel>, #tpu.dimension_semantics<subcore_parallel>], iteration_bounds = array<i64: 2, 16>, scalar_prefetch = 0 : i64, scratch_operands = 8 : i64, tpu.core_type = #tpu.core_type<sc_vector_subcore>, window_params = [{transform_indices = #map}, {transform_indices = #map}, {transform_indices = #map}, {transform_indices = #map1}, {transform_indices = #map1}, {transform_indices = #map2}]} {
    %mul3A = arith.constant 2 : i32
    %mul3A_0 = arith.muli %arg1, %mul3A : i32
    %add3A = arith.addi %mul3A_0, %arg0 : i32
    "tpu.region"() ({
      %run_scoped3A = tpu.sem_alloc : memref<!tpu.dma_semaphore, #tpu.memory_space<semaphore_mem>>
      %dma_start3A = arith.constant 0 : i32
      %dma_start3A_10 = arith.constant 0 : i32
      %dma_start3A_11 = tpu.memref_slice %arg2[%add3A, %dma_start3A, %dma_start3A_10] : memref<32x4x128xi32, #tpu.memory_space<hbm>> -> memref<1x4x128xi32, #tpu.memory_space<hbm>>
      %dma_start3A_12 = tpu.memref_squeeze %dma_start3A_11 : memref<1x4x128xi32, #tpu.memory_space<hbm>> -> memref<4x128xi32, #tpu.memory_space<hbm>>
      %dma_start3A_13 = arith.constant 0 : i32
      %dma_start3A_14 = arith.constant 0 : i32
      %dma_start3A_15 = tpu.memref_slice %arg2[%add3A, %dma_start3A_13, %dma_start3A_14] : memref<32x4x128xi32, #tpu.memory_space<hbm>> -> memref<1x4x128xi32, #tpu.memory_space<hbm>>
      %dma_start3A_16 = tpu.memref_squeeze %dma_start3A_15 : memref<1x4x128xi32, #tpu.memory_space<hbm>> -> memref<4x128xi32, #tpu.memory_space<hbm>>
      tpu.enqueue_dma source(%dma_start3A_16 : memref<4x128xi32, #tpu.memory_space<hbm>>) target(%arg8 : memref<4x128xi32, #tpu.memory_space<vmem>>) target_semaphore(%run_scoped3A : memref<!tpu.dma_semaphore, #tpu.memory_space<semaphore_mem>>)
      %dma_wait3A = arith.constant 0 : i32
      %dma_wait3A_17 = arith.constant 0 : i32
      %dma_wait3A_18 = tpu.memref_slice %arg2[%add3A, %dma_wait3A, %dma_wait3A_17] : memref<32x4x128xi32, #tpu.memory_space<hbm>> -> memref<1x4x128xi32, #tpu.memory_space<hbm>>
      %dma_wait3A_19 = tpu.memref_squeeze %dma_wait3A_18 : memref<1x4x128xi32, #tpu.memory_space<hbm>> -> memref<4x128xi32, #tpu.memory_space<hbm>>
      %dma_wait3A_20 = arith.constant 0 : i32
      %dma_wait3A_21 = arith.constant 0 : i32
      %dma_wait3A_22 = tpu.memref_slice %arg2[%add3A, %dma_wait3A_20, %dma_wait3A_21] : memref<32x4x128xi32, #tpu.memory_space<hbm>> -> memref<1x4x128xi32, #tpu.memory_space<hbm>>
      %dma_wait3A_23 = tpu.memref_squeeze %dma_wait3A_22 : memref<1x4x128xi32, #tpu.memory_space<hbm>> -> memref<4x128xi32, #tpu.memory_space<hbm>>
      tpu.wait_dma2 semaphore(%run_scoped3A : memref<!tpu.dma_semaphore, #tpu.memory_space<semaphore_mem>>) src(%dma_wait3A_23 : memref<4x128xi32, #tpu.memory_space<hbm>>) dst(%arg8 : memref<4x128xi32, #tpu.memory_space<vmem>>)
      tpu.yield
    }) : () -> ()
    "tpu.region"() ({
      %run_scoped3A = tpu.sem_alloc : memref<!tpu.dma_semaphore, #tpu.memory_space<semaphore_mem>>
      %dma_start3A = arith.constant 0 : i32
      %dma_start3A_10 = arith.constant 0 : i32
      %dma_start3A_11 = tpu.memref_slice %arg3[%add3A, %dma_start3A, %dma_start3A_10] : memref<32x4x128xi32, #tpu.memory_space<hbm>> -> memref<1x4x128xi32, #tpu.memory_space<hbm>>
      %dma_start3A_12 = tpu.memref_squeeze %dma_start3A_11 : memref<1x4x128xi32, #tpu.memory_space<hbm>> -> memref<4x128xi32, #tpu.memory_space<hbm>>
      %dma_start3A_13 = arith.constant 0 : i32
      %dma_start3A_14 = arith.constant 0 : i32
      %dma_start3A_15 = tpu.memref_slice %arg3[%add3A, %dma_start3A_13, %dma_start3A_14] : memref<32x4x128xi32, #tpu.memory_space<hbm>> -> memref<1x4x128xi32, #tpu.memory_space<hbm>>
      %dma_start3A_16 = tpu.memref_squeeze %dma_start3A_15 : memref<1x4x128xi32, #tpu.memory_space<hbm>> -> memref<4x128xi32, #tpu.memory_space<hbm>>
      tpu.enqueue_dma source(%dma_start3A_16 : memref<4x128xi32, #tpu.memory_space<hbm>>) target(%arg9 : memref<4x128xi32, #tpu.memory_space<vmem>>) target_semaphore(%run_scoped3A : memref<!tpu.dma_semaphore, #tpu.memory_space<semaphore_mem>>)
      %dma_wait3A = arith.constant 0 : i32
      %dma_wait3A_17 = arith.constant 0 : i32
      %dma_wait3A_18 = tpu.memref_slice %arg3[%add3A, %dma_wait3A, %dma_wait3A_17] : memref<32x4x128xi32, #tpu.memory_space<hbm>> -> memref<1x4x128xi32, #tpu.memory_space<hbm>>
      %dma_wait3A_19 = tpu.memref_squeeze %dma_wait3A_18 : memref<1x4x128xi32, #tpu.memory_space<hbm>> -> memref<4x128xi32, #tpu.memory_space<hbm>>
      %dma_wait3A_20 = arith.constant 0 : i32
      %dma_wait3A_21 = arith.constant 0 : i32
      %dma_wait3A_22 = tpu.memref_slice %arg3[%add3A, %dma_wait3A_20, %dma_wait3A_21] : memref<32x4x128xi32, #tpu.memory_space<hbm>> -> memref<1x4x128xi32, #tpu.memory_space<hbm>>
      %dma_wait3A_23 = tpu.memref_squeeze %dma_wait3A_22 : memref<1x4x128xi32, #tpu.memory_space<hbm>> -> memref<4x128xi32, #tpu.memory_space<hbm>>
      tpu.wait_dma2 semaphore(%run_scoped3A : memref<!tpu.dma_semaphore, #tpu.memory_space<semaphore_mem>>) src(%dma_wait3A_23 : memref<4x128xi32, #tpu.memory_space<hbm>>) dst(%arg9 : memref<4x128xi32, #tpu.memory_space<vmem>>)
      tpu.yield
    }) : () -> ()
    "tpu.region"() ({
      %run_scoped3A = tpu.sem_alloc : memref<!tpu.dma_semaphore, #tpu.memory_space<semaphore_mem>>
      %dma_start3A = arith.constant 0 : i32
      %dma_start3A_10 = arith.constant 0 : i32
      %dma_start3A_11 = tpu.memref_slice %arg4[%add3A, %dma_start3A, %dma_start3A_10] : memref<32x4x128xi32, #tpu.memory_space<hbm>> -> memref<1x4x128xi32, #tpu.memory_space<hbm>>
      %dma_start3A_12 = tpu.memref_squeeze %dma_start3A_11 : memref<1x4x128xi32, #tpu.memory_space<hbm>> -> memref<4x128xi32, #tpu.memory_space<hbm>>
      %dma_start3A_13 = arith.constant 0 : i32
      %dma_start3A_14 = arith.constant 0 : i32
      %dma_start3A_15 = tpu.memref_slice %arg4[%add3A, %dma_start3A_13, %dma_start3A_14] : memref<32x4x128xi32, #tpu.memory_space<hbm>> -> memref<1x4x128xi32, #tpu.memory_space<hbm>>
      %dma_start3A_16 = tpu.memref_squeeze %dma_start3A_15 : memref<1x4x128xi32, #tpu.memory_space<hbm>> -> memref<4x128xi32, #tpu.memory_space<hbm>>
      tpu.enqueue_dma source(%dma_start3A_16 : memref<4x128xi32, #tpu.memory_space<hbm>>) target(%arg10 : memref<4x128xi32, #tpu.memory_space<vmem>>) target_semaphore(%run_scoped3A : memref<!tpu.dma_semaphore, #tpu.memory_space<semaphore_mem>>)
      %dma_wait3A = arith.constant 0 : i32
      %dma_wait3A_17 = arith.constant 0 : i32
      %dma_wait3A_18 = tpu.memref_slice %arg4[%add3A, %dma_wait3A, %dma_wait3A_17] : memref<32x4x128xi32, #tpu.memory_space<hbm>> -> memref<1x4x128xi32, #tpu.memory_space<hbm>>
      %dma_wait3A_19 = tpu.memref_squeeze %dma_wait3A_18 : memref<1x4x128xi32, #tpu.memory_space<hbm>> -> memref<4x128xi32, #tpu.memory_space<hbm>>
      %dma_wait3A_20 = arith.constant 0 : i32
      %dma_wait3A_21 = arith.constant 0 : i32
      %dma_wait3A_22 = tpu.memref_slice %arg4[%add3A, %dma_wait3A_20, %dma_wait3A_21] : memref<32x4x128xi32, #tpu.memory_space<hbm>> -> memref<1x4x128xi32, #tpu.memory_space<hbm>>
      %dma_wait3A_23 = tpu.memref_squeeze %dma_wait3A_22 : memref<1x4x128xi32, #tpu.memory_space<hbm>> -> memref<4x128xi32, #tpu.memory_space<hbm>>
      tpu.wait_dma2 semaphore(%run_scoped3A : memref<!tpu.dma_semaphore, #tpu.memory_space<semaphore_mem>>) src(%dma_wait3A_23 : memref<4x128xi32, #tpu.memory_space<hbm>>) dst(%arg10 : memref<4x128xi32, #tpu.memory_space<vmem>>)
      tpu.yield
    }) : () -> ()
    %iota3A = tpu.iota {dimensions = array<i32: 0>} : vector<16xi32>
    %eq3A = arith.constant 0 : i32
    %eq3A_1 = vector.broadcast %eq3A : i32 to vector<16xi32>
    %eq3A_2 = arith.cmpi eq, %iota3A, %eq3A_1 : vector<16xi32>
    %scan3A = arith.constant 0 : i32
    %scan3A_3 = arith.constant 0 : i32
    %scan3A_4 = arith.constant 4 : i32
    %scan3A_5 = arith.addi %scan3A_3, %scan3A_4 : i32
    %scan3A_6 = arith.constant 1 : i32
    scf.for %scan3A_10 = %scan3A_3 to %scan3A_5 step %scan3A_6  : i32 {
      %dma_start3A = arith.constant 0 : i32
      %dma_start3A_11 = tpu.memref_slice %arg8[%scan3A_10, %dma_start3A] : memref<4x128xi32, #tpu.memory_space<vmem>> -> memref<1x128xi32, #tpu.memory_space<vmem>>
      %dma_start3A_12 = tpu.memref_squeeze %dma_start3A_11 : memref<1x128xi32, #tpu.memory_space<vmem>> -> memref<128xi32, #tpu.memory_space<vmem>>
      %dma_start3A_13 = arith.constant 0 : i32
      %dma_start3A_14 = arith.constant 0 : i32
      %dma_start3A_15 = tpu.memref_slice %arg5[%dma_start3A_13, %dma_start3A_14] : memref<1000000x128xf32, #tpu.memory_space<hbm>> -> memref<1000000x128xf32, #tpu.memory_space<hbm>>
      tpu.enqueue_indirect_dma source(%dma_start3A_15 : memref<1000000x128xf32, #tpu.memory_space<hbm>>) target(%arg11 : memref<128x128xf32, #tpu.memory_space<vmem>>) offsets(%dma_start3A_12 : memref<128xi32, #tpu.memory_space<vmem>>) semaphore(%arg15 : memref<!tpu.dma_semaphore, #tpu.memory_space<semaphore_mem>>)
      %dma_start3A_16 = arith.constant 0 : i32
      %dma_start3A_17 = tpu.memref_slice %arg9[%scan3A_10, %dma_start3A_16] : memref<4x128xi32, #tpu.memory_space<vmem>> -> memref<1x128xi32, #tpu.memory_space<vmem>>
      %dma_start3A_18 = tpu.memref_squeeze %dma_start3A_17 : memref<1x128xi32, #tpu.memory_space<vmem>> -> memref<128xi32, #tpu.memory_space<vmem>>
      %dma_start3A_19 = arith.constant 0 : i32
      %dma_start3A_20 = arith.constant 0 : i32
      %dma_start3A_21 = tpu.memref_slice %arg5[%dma_start3A_19, %dma_start3A_20] : memref<1000000x128xf32, #tpu.memory_space<hbm>> -> memref<1000000x128xf32, #tpu.memory_space<hbm>>
      tpu.enqueue_indirect_dma source(%dma_start3A_21 : memref<1000000x128xf32, #tpu.memory_space<hbm>>) target(%arg12 : memref<128x128xf32, #tpu.memory_space<vmem>>) offsets(%dma_start3A_18 : memref<128xi32, #tpu.memory_space<vmem>>) semaphore(%arg15 : memref<!tpu.dma_semaphore, #tpu.memory_space<semaphore_mem>>)
      %dma_start3A_22 = arith.constant 0 : i32
      %dma_start3A_23 = tpu.memref_slice %arg10[%scan3A_10, %dma_start3A_22] : memref<4x128xi32, #tpu.memory_space<vmem>> -> memref<1x128xi32, #tpu.memory_space<vmem>>
      %dma_start3A_24 = tpu.memref_squeeze %dma_start3A_23 : memref<1x128xi32, #tpu.memory_space<vmem>> -> memref<128xi32, #tpu.memory_space<vmem>>
      %dma_start3A_25 = arith.constant 0 : i32
      %dma_start3A_26 = arith.constant 0 : i32
      %dma_start3A_27 = tpu.memref_slice %arg6[%dma_start3A_25, %dma_start3A_26] : memref<1000000x128xf32, #tpu.memory_space<hbm>> -> memref<1000000x128xf32, #tpu.memory_space<hbm>>
      tpu.enqueue_indirect_dma source(%dma_start3A_27 : memref<1000000x128xf32, #tpu.memory_space<hbm>>) target(%arg13 : memref<128x128xf32, #tpu.memory_space<vmem>>) offsets(%dma_start3A_24 : memref<128xi32, #tpu.memory_space<vmem>>) semaphore(%arg15 : memref<!tpu.dma_semaphore, #tpu.memory_space<semaphore_mem>>)
      %dma_wait3A = arith.constant 0 : i32
      %dma_wait3A_28 = tpu.memref_slice %arg8[%scan3A_10, %dma_wait3A] : memref<4x128xi32, #tpu.memory_space<vmem>> -> memref<1x128xi32, #tpu.memory_space<vmem>>
      %dma_wait3A_29 = tpu.memref_squeeze %dma_wait3A_28 : memref<1x128xi32, #tpu.memory_space<vmem>> -> memref<128xi32, #tpu.memory_space<vmem>>
      %dma_wait3A_30 = arith.constant 0 : i32
      %dma_wait3A_31 = arith.constant 0 : i32
      %dma_wait3A_32 = tpu.memref_slice %arg5[%dma_wait3A_30, %dma_wait3A_31] : memref<1000000x128xf32, #tpu.memory_space<hbm>> -> memref<1000000x128xf32, #tpu.memory_space<hbm>>
      tpu.wait_indirect_dma semaphore(%arg15 : memref<!tpu.dma_semaphore, #tpu.memory_space<semaphore_mem>>) src(%dma_wait3A_32 : memref<1000000x128xf32, #tpu.memory_space<hbm>>) dst(%arg11 : memref<128x128xf32, #tpu.memory_space<vmem>>)
      %dma_wait3A_33 = arith.constant 0 : i32
      %dma_wait3A_34 = tpu.memref_slice %arg9[%scan3A_10, %dma_wait3A_33] : memref<4x128xi32, #tpu.memory_space<vmem>> -> memref<1x128xi32, #tpu.memory_space<vmem>>
      %dma_wait3A_35 = tpu.memref_squeeze %dma_wait3A_34 : memref<1x128xi32, #tpu.memory_space<vmem>> -> memref<128xi32, #tpu.memory_space<vmem>>
      %dma_wait3A_36 = arith.constant 0 : i32
      %dma_wait3A_37 = arith.constant 0 : i32
      %dma_wait3A_38 = tpu.memref_slice %arg5[%dma_wait3A_36, %dma_wait3A_37] : memref<1000000x128xf32, #tpu.memory_space<hbm>> -> memref<1000000x128xf32, #tpu.memory_space<hbm>>
      tpu.wait_indirect_dma semaphore(%arg15 : memref<!tpu.dma_semaphore, #tpu.memory_space<semaphore_mem>>) src(%dma_wait3A_38 : memref<1000000x128xf32, #tpu.memory_space<hbm>>) dst(%arg12 : memref<128x128xf32, #tpu.memory_space<vmem>>)
      %dma_wait3A_39 = arith.constant 0 : i32
      %dma_wait3A_40 = tpu.memref_slice %arg10[%scan3A_10, %dma_wait3A_39] : memref<4x128xi32, #tpu.memory_space<vmem>> -> memref<1x128xi32, #tpu.memory_space<vmem>>
      %dma_wait3A_41 = tpu.memref_squeeze %dma_wait3A_40 : memref<1x128xi32, #tpu.memory_space<vmem>> -> memref<128xi32, #tpu.memory_space<vmem>>
      %dma_wait3A_42 = arith.constant 0 : i32
      %dma_wait3A_43 = arith.constant 0 : i32
      %dma_wait3A_44 = tpu.memref_slice %arg6[%dma_wait3A_42, %dma_wait3A_43] : memref<1000000x128xf32, #tpu.memory_space<hbm>> -> memref<1000000x128xf32, #tpu.memory_space<hbm>>
      tpu.wait_indirect_dma semaphore(%arg15 : memref<!tpu.dma_semaphore, #tpu.memory_space<semaphore_mem>>) src(%dma_wait3A_44 : memref<1000000x128xf32, #tpu.memory_space<hbm>>) dst(%arg13 : memref<128x128xf32, #tpu.memory_space<vmem>>)
      %scan3A_45 = arith.constant 0 : i32
      %scan3A_46 = arith.constant 0 : i32
      %scan3A_47 = arith.constant 128 : i32
      %scan3A_48 = arith.addi %scan3A_46, %scan3A_47 : i32
      %scan3A_49 = arith.constant 1 : i32
      scf.for %scan3A_51 = %scan3A_46 to %scan3A_48 step %scan3A_49  : i32 {
        %get3A = arith.index_cast %scan3A_51 : i32 to index
        %get3A_52 = arith.constant 0 : index
        %get3A_53 = tpu.vector_load %arg11[%get3A, %get3A_52] {strides = array<i32>} : memref<128x128xf32, #tpu.memory_space<vmem>>, vector<16xf32>,
        %get3A_54 = arith.index_cast %scan3A_51 : i32 to index
        %get3A_55 = arith.constant 16 : index
        %get3A_56 = tpu.vector_load %arg11[%get3A_54, %get3A_55] {strides = array<i32>} : memref<128x128xf32, #tpu.memory_space<vmem>>, vector<16xf32>,
        %get3A_57 = arith.index_cast %scan3A_51 : i32 to index
        %get3A_58 = arith.constant 32 : index
        %get3A_59 = tpu.vector_load %arg11[%get3A_57, %get3A_58] {strides = array<i32>} : memref<128x128xf32, #tpu.memory_space<vmem>>, vector<16xf32>,
        %get3A_60 = arith.index_cast %scan3A_51 : i32 to index
        %get3A_61 = arith.constant 48 : index
        %get3A_62 = tpu.vector_load %arg11[%get3A_60, %get3A_61] {strides = array<i32>} : memref<128x128xf32, #tpu.memory_space<vmem>>, vector<16xf32>,
        %get3A_63 = arith.index_cast %scan3A_51 : i32 to index
        %get3A_64 = arith.constant 0 : index
        %get3A_65 = tpu.vector_load %arg12[%get3A_63, %get3A_64] {strides = array<i32>} : memref<128x128xf32, #tpu.memory_space<vmem>>, vector<16xf32>,
        %get3A_66 = arith.index_cast %scan3A_51 : i32 to index
        %get3A_67 = arith.constant 16 : index
        %get3A_68 = tpu.vector_load %arg12[%get3A_66, %get3A_67] {strides = array<i32>} : memref<128x128xf32, #tpu.memory_space<vmem>>, vector<16xf32>,
        %get3A_69 = arith.index_cast %scan3A_51 : i32 to index
        %get3A_70 = arith.constant 32 : index
        %get3A_71 = tpu.vector_load %arg12[%get3A_69, %get3A_70] {strides = array<i32>} : memref<128x128xf32, #tpu.memory_space<vmem>>, vector<16xf32>,
        %get3A_72 = arith.index_cast %scan3A_51 : i32 to index
        %get3A_73 = arith.constant 48 : index
        %get3A_74 = tpu.vector_load %arg12[%get3A_72, %get3A_73] {strides = array<i32>} : memref<128x128xf32, #tpu.memory_space<vmem>>, vector<16xf32>,
        %get3A_75 = arith.index_cast %scan3A_51 : i32 to index
        %get3A_76 = arith.constant 0 : index
        %get3A_77 = tpu.vector_load %arg13[%get3A_75, %get3A_76] {strides = array<i32>} : memref<128x128xf32, #tpu.memory_space<vmem>>, vector<16xf32>,
        %get3A_78 = arith.index_cast %scan3A_51 : i32 to index
        %get3A_79 = arith.constant 16 : index
        %get3A_80 = tpu.vector_load %arg13[%get3A_78, %get3A_79] {strides = array<i32>} : memref<128x128xf32, #tpu.memory_space<vmem>>, vector<16xf32>,
        %get3A_81 = arith.index_cast %scan3A_51 : i32 to index
        %get3A_82 = arith.constant 32 : index
        %get3A_83 = tpu.vector_load %arg13[%get3A_81, %get3A_82] {strides = array<i32>} : memref<128x128xf32, #tpu.memory_space<vmem>>, vector<16xf32>,
        %get3A_84 = arith.index_cast %scan3A_51 : i32 to index
        %get3A_85 = arith.constant 48 : index
        %get3A_86 = tpu.vector_load %arg13[%get3A_84, %get3A_85] {strides = array<i32>} : memref<128x128xf32, #tpu.memory_space<vmem>>, vector<16xf32>,
        %mul3A_87 = arith.mulf %get3A_53, %get3A_53 : vector<16xf32>
        %mul3A_88 = arith.mulf %get3A_56, %get3A_56 : vector<16xf32>
        %add3A_89 = arith.addf %mul3A_87, %mul3A_88 : vector<16xf32>
        %mul3A_90 = arith.mulf %get3A_59, %get3A_59 : vector<16xf32>
        %add3A_91 = arith.addf %add3A_89, %mul3A_90 : vector<16xf32>
        %mul3A_92 = arith.mulf %get3A_62, %get3A_62 : vector<16xf32>
        %add3A_93 = arith.addf %add3A_91, %mul3A_92 : vector<16xf32>
        %mul3A_94 = arith.mulf %get3A_65, %get3A_65 : vector<16xf32>
        %mul3A_95 = arith.mulf %get3A_68, %get3A_68 : vector<16xf32>
        %add3A_96 = arith.addf %mul3A_94, %mul3A_95 : vector<16xf32>
        %mul3A_97 = arith.mulf %get3A_71, %get3A_71 : vector<16xf32>
        %add3A_98 = arith.addf %add3A_96, %mul3A_97 : vector<16xf32>
        %mul3A_99 = arith.mulf %get3A_74, %get3A_74 : vector<16xf32>
        %add3A_100 = arith.addf %add3A_98, %mul3A_99 : vector<16xf32>
        %xor3A = arith.constant 1 : i32
        %xor3A_101 = vector.broadcast %xor3A : i32 to vector<16xi32>
        %xor3A_102 = arith.xori %iota3A, %xor3A_101 : vector<16xi32>
        %reshape3A = vector.shape_cast %xor3A_102 : vector<16xi32> to vector<16x1xi32>
        %gather3A = vector.shape_cast %reshape3A : vector<16x1xi32> to vector<16xi32>
        %gather3A_103 = tpu.dynamic_gather %add3A_93[%gather3A] in [0] : vector<16xf32>, vector<16xi32> -> vector<16xf32>
        %add3A_104 = arith.addf %add3A_93, %gather3A_103 : vector<16xf32>
        %xor3A_105 = arith.constant 2 : i32
        %xor3A_106 = vector.broadcast %xor3A_105 : i32 to vector<16xi32>
        %xor3A_107 = arith.xori %iota3A, %xor3A_106 : vector<16xi32>
        %reshape3A_108 = vector.shape_cast %xor3A_107 : vector<16xi32> to vector<16x1xi32>
        %gather3A_109 = vector.shape_cast %reshape3A_108 : vector<16x1xi32> to vector<16xi32>
        %gather3A_110 = tpu.dynamic_gather %add3A_104[%gather3A_109] in [0] : vector<16xf32>, vector<16xi32> -> vector<16xf32>
        %add3A_111 = arith.addf %add3A_104, %gather3A_110 : vector<16xf32>
        %xor3A_112 = arith.constant 4 : i32
        %xor3A_113 = vector.broadcast %xor3A_112 : i32 to vector<16xi32>
        %xor3A_114 = arith.xori %iota3A, %xor3A_113 : vector<16xi32>
        %reshape3A_115 = vector.shape_cast %xor3A_114 : vector<16xi32> to vector<16x1xi32>
        %gather3A_116 = vector.shape_cast %reshape3A_115 : vector<16x1xi32> to vector<16xi32>
        %gather3A_117 = tpu.dynamic_gather %add3A_111[%gather3A_116] in [0] : vector<16xf32>, vector<16xi32> -> vector<16xf32>
        %add3A_118 = arith.addf %add3A_111, %gather3A_117 : vector<16xf32>
        %xor3A_119 = arith.constant 8 : i32
        %xor3A_120 = vector.broadcast %xor3A_119 : i32 to vector<16xi32>
        %xor3A_121 = arith.xori %iota3A, %xor3A_120 : vector<16xi32>
        %reshape3A_122 = vector.shape_cast %xor3A_121 : vector<16xi32> to vector<16x1xi32>
        %gather3A_123 = vector.shape_cast %reshape3A_122 : vector<16x1xi32> to vector<16xi32>
        %gather3A_124 = tpu.dynamic_gather %add3A_118[%gather3A_123] in [0] : vector<16xf32>, vector<16xi32> -> vector<16xf32>
        %add3A_125 = arith.addf %add3A_118, %gather3A_124 : vector<16xf32>
        %bitcast_convert_type3A = tpu.bitcast %add3A_125 : vector<16xf32> -> vector<16xi32>
        %shift_right_arithmetic3A = arith.constant 1 : i32
        %shift_right_arithmetic3A_126 = vector.broadcast %shift_right_arithmetic3A : i32 to vector<16xi32>
        %shift_right_arithmetic3A_127 = arith.shrsi %bitcast_convert_type3A, %shift_right_arithmetic3A_126 : vector<16xi32>
        %sub3A = arith.constant 1597463007 : i32
        %sub3A_128 = vector.broadcast %sub3A : i32 to vector<16xi32>
        %sub3A_129 = arith.subi %sub3A_128, %shift_right_arithmetic3A_127 : vector<16xi32>
        %bitcast_convert_type3A_130 = tpu.bitcast %sub3A_129 : vector<16xi32> -> vector<16xf32>
        %mul3A_131 = arith.mulf %add3A_125, %bitcast_convert_type3A_130 : vector<16xf32>
        %mul3A_132 = arith.mulf %mul3A_131, %bitcast_convert_type3A_130 : vector<16xf32>
        %mul3A_133 = arith.constant 5.000000e-01 : f32
        %mul3A_134 = vector.broadcast %mul3A_133 : f32 to vector<16xf32>
        %mul3A_135 = arith.mulf %mul3A_134, %mul3A_132 : vector<16xf32>
        %sub3A_136 = arith.constant 1.500000e+00 : f32
        %sub3A_137 = vector.broadcast %sub3A_136 : f32 to vector<16xf32>
        %sub3A_138 = arith.subf %sub3A_137, %mul3A_135 : vector<16xf32>
        %mul3A_139 = arith.mulf %bitcast_convert_type3A_130, %sub3A_138 : vector<16xf32>
        %mul3A_140 = arith.mulf %add3A_125, %mul3A_139 : vector<16xf32>
        %mul3A_141 = arith.mulf %mul3A_140, %mul3A_139 : vector<16xf32>
        %mul3A_142 = arith.constant 5.000000e-01 : f32
        %mul3A_143 = vector.broadcast %mul3A_142 : f32 to vector<16xf32>
        %mul3A_144 = arith.mulf %mul3A_143, %mul3A_141 : vector<16xf32>
        %sub3A_145 = arith.constant 1.500000e+00 : f32
        %sub3A_146 = vector.broadcast %sub3A_145 : f32 to vector<16xf32>
        %sub3A_147 = arith.subf %sub3A_146, %mul3A_144 : vector<16xf32>
        %mul3A_148 = arith.mulf %mul3A_139, %sub3A_147 : vector<16xf32>
        %mul3A_149 = arith.mulf %add3A_125, %mul3A_148 : vector<16xf32>
        %mul3A_150 = arith.mulf %mul3A_149, %mul3A_148 : vector<16xf32>
        %mul3A_151 = arith.constant 5.000000e-01 : f32
        %mul3A_152 = vector.broadcast %mul3A_151 : f32 to vector<16xf32>
        %mul3A_153 = arith.mulf %mul3A_152, %mul3A_150 : vector<16xf32>
        %sub3A_154 = arith.constant 1.500000e+00 : f32
        %sub3A_155 = vector.broadcast %sub3A_154 : f32 to vector<16xf32>
        %sub3A_156 = arith.subf %sub3A_155, %mul3A_153 : vector<16xf32>
        %mul3A_157 = arith.mulf %mul3A_148, %sub3A_156 : vector<16xf32>
        %min3A = arith.constant 9.99999995E+11 : f32
        %min3A_158 = vector.broadcast %min3A : f32 to vector<16xf32>
        %min3A_159 = arith.minimumf %mul3A_157, %min3A_158 : vector<16xf32>
        %xor3A_160 = arith.constant 1 : i32
        %xor3A_161 = vector.broadcast %xor3A_160 : i32 to vector<16xi32>
        %xor3A_162 = arith.xori %iota3A, %xor3A_161 : vector<16xi32>
        %reshape3A_163 = vector.shape_cast %xor3A_162 : vector<16xi32> to vector<16x1xi32>
        %gather3A_164 = vector.shape_cast %reshape3A_163 : vector<16x1xi32> to vector<16xi32>
        %gather3A_165 = tpu.dynamic_gather %add3A_100[%gather3A_164] in [0] : vector<16xf32>, vector<16xi32> -> vector<16xf32>
        %add3A_166 = arith.addf %add3A_100, %gather3A_165 : vector<16xf32>
        %xor3A_167 = arith.constant 2 : i32
        %xor3A_168 = vector.broadcast %xor3A_167 : i32 to vector<16xi32>
        %xor3A_169 = arith.xori %iota3A, %xor3A_168 : vector<16xi32>
        %reshape3A_170 = vector.shape_cast %xor3A_169 : vector<16xi32> to vector<16x1xi32>
        %gather3A_171 = vector.shape_cast %reshape3A_170 : vector<16x1xi32> to vector<16xi32>
        %gather3A_172 = tpu.dynamic_gather %add3A_166[%gather3A_171] in [0] : vector<16xf32>, vector<16xi32> -> vector<16xf32>
        %add3A_173 = arith.addf %add3A_166, %gather3A_172 : vector<16xf32>
        %xor3A_174 = arith.constant 4 : i32
        %xor3A_175 = vector.broadcast %xor3A_174 : i32 to vector<16xi32>
        %xor3A_176 = arith.xori %iota3A, %xor3A_175 : vector<16xi32>
        %reshape3A_177 = vector.shape_cast %xor3A_176 : vector<16xi32> to vector<16x1xi32>
        %gather3A_178 = vector.shape_cast %reshape3A_177 : vector<16x1xi32> to vector<16xi32>
        %gather3A_179 = tpu.dynamic_gather %add3A_173[%gather3A_178] in [0] : vector<16xf32>, vector<16xi32> -> vector<16xf32>
        %add3A_180 = arith.addf %add3A_173, %gather3A_179 : vector<16xf32>
        %xor3A_181 = arith.constant 8 : i32
        %xor3A_182 = vector.broadcast %xor3A_181 : i32 to vector<16xi32>
        %xor3A_183 = arith.xori %iota3A, %xor3A_182 : vector<16xi32>
        %reshape3A_184 = vector.shape_cast %xor3A_183 : vector<16xi32> to vector<16x1xi32>
        %gather3A_185 = vector.shape_cast %reshape3A_184 : vector<16x1xi32> to vector<16xi32>
        %gather3A_186 = tpu.dynamic_gather %add3A_180[%gather3A_185] in [0] : vector<16xf32>, vector<16xi32> -> vector<16xf32>
        %add3A_187 = arith.addf %add3A_180, %gather3A_186 : vector<16xf32>
        %bitcast_convert_type3A_188 = tpu.bitcast %add3A_187 : vector<16xf32> -> vector<16xi32>
        %shift_right_arithmetic3A_189 = arith.constant 1 : i32
        %shift_right_arithmetic3A_190 = vector.broadcast %shift_right_arithmetic3A_189 : i32 to vector<16xi32>
        %shift_right_arithmetic3A_191 = arith.shrsi %bitcast_convert_type3A_188, %shift_right_arithmetic3A_190 : vector<16xi32>
        %sub3A_192 = arith.constant 1597463007 : i32
        %sub3A_193 = vector.broadcast %sub3A_192 : i32 to vector<16xi32>
        %sub3A_194 = arith.subi %sub3A_193, %shift_right_arithmetic3A_191 : vector<16xi32>
        %bitcast_convert_type3A_195 = tpu.bitcast %sub3A_194 : vector<16xi32> -> vector<16xf32>
        %mul3A_196 = arith.mulf %add3A_187, %bitcast_convert_type3A_195 : vector<16xf32>
        %mul3A_197 = arith.mulf %mul3A_196, %bitcast_convert_type3A_195 : vector<16xf32>
        %mul3A_198 = arith.constant 5.000000e-01 : f32
        %mul3A_199 = vector.broadcast %mul3A_198 : f32 to vector<16xf32>
        %mul3A_200 = arith.mulf %mul3A_199, %mul3A_197 : vector<16xf32>
        %sub3A_201 = arith.constant 1.500000e+00 : f32
        %sub3A_202 = vector.broadcast %sub3A_201 : f32 to vector<16xf32>
        %sub3A_203 = arith.subf %sub3A_202, %mul3A_200 : vector<16xf32>
        %mul3A_204 = arith.mulf %bitcast_convert_type3A_195, %sub3A_203 : vector<16xf32>
        %mul3A_205 = arith.mulf %add3A_187, %mul3A_204 : vector<16xf32>
        %mul3A_206 = arith.mulf %mul3A_205, %mul3A_204 : vector<16xf32>
        %mul3A_207 = arith.constant 5.000000e-01 : f32
        %mul3A_208 = vector.broadcast %mul3A_207 : f32 to vector<16xf32>
        %mul3A_209 = arith.mulf %mul3A_208, %mul3A_206 : vector<16xf32>
        %sub3A_210 = arith.constant 1.500000e+00 : f32
        %sub3A_211 = vector.broadcast %sub3A_210 : f32 to vector<16xf32>
        %sub3A_212 = arith.subf %sub3A_211, %mul3A_209 : vector<16xf32>
        %mul3A_213 = arith.mulf %mul3A_204, %sub3A_212 : vector<16xf32>
        %mul3A_214 = arith.mulf %add3A_187, %mul3A_213 : vector<16xf32>
        %mul3A_215 = arith.mulf %mul3A_214, %mul3A_213 : vector<16xf32>
        %mul3A_216 = arith.constant 5.000000e-01 : f32
        %mul3A_217 = vector.broadcast %mul3A_216 : f32 to vector<16xf32>
        %mul3A_218 = arith.mulf %mul3A_217, %mul3A_215 : vector<16xf32>
        %sub3A_219 = arith.constant 1.500000e+00 : f32
        %sub3A_220 = vector.broadcast %sub3A_219 : f32 to vector<16xf32>
        %sub3A_221 = arith.subf %sub3A_220, %mul3A_218 : vector<16xf32>
        %mul3A_222 = arith.mulf %mul3A_213, %sub3A_221 : vector<16xf32>
        %min3A_223 = arith.constant 9.99999995E+11 : f32
        %min3A_224 = vector.broadcast %min3A_223 : f32 to vector<16xf32>
        %min3A_225 = arith.minimumf %mul3A_222, %min3A_224 : vector<16xf32>
        %mul3A_226 = arith.mulf %get3A_53, %min3A_159 : vector<16xf32>
        %add3A_227 = arith.addf %mul3A_226, %get3A_77 : vector<16xf32>
        %mul3A_228 = arith.mulf %get3A_65, %min3A_225 : vector<16xf32>
        %sub3A_229 = arith.subf %add3A_227, %mul3A_228 : vector<16xf32>
        %abs3A = math.absf %sub3A_229 : vector<16xf32>
        %mul3A_230 = arith.mulf %get3A_56, %min3A_159 : vector<16xf32>
        %add3A_231 = arith.addf %mul3A_230, %get3A_80 : vector<16xf32>
        %mul3A_232 = arith.mulf %get3A_68, %min3A_225 : vector<16xf32>
        %sub3A_233 = arith.subf %add3A_231, %mul3A_232 : vector<16xf32>
        %abs3A_234 = math.absf %sub3A_233 : vector<16xf32>
        %add3A_235 = arith.addf %abs3A, %abs3A_234 : vector<16xf32>
        %mul3A_236 = arith.mulf %get3A_59, %min3A_159 : vector<16xf32>
        %add3A_237 = arith.addf %mul3A_236, %get3A_83 : vector<16xf32>
        %mul3A_238 = arith.mulf %get3A_71, %min3A_225 : vector<16xf32>
        %sub3A_239 = arith.subf %add3A_237, %mul3A_238 : vector<16xf32>
        %abs3A_240 = math.absf %sub3A_239 : vector<16xf32>
        %add3A_241 = arith.addf %add3A_235, %abs3A_240 : vector<16xf32>
        %mul3A_242 = arith.mulf %get3A_62, %min3A_159 : vector<16xf32>
        %add3A_243 = arith.addf %mul3A_242, %get3A_86 : vector<16xf32>
        %mul3A_244 = arith.mulf %get3A_74, %min3A_225 : vector<16xf32>
        %sub3A_245 = arith.subf %add3A_243, %mul3A_244 : vector<16xf32>
        %abs3A_246 = math.absf %sub3A_245 : vector<16xf32>
        %add3A_247 = arith.addf %add3A_241, %abs3A_246 : vector<16xf32>
        %xor3A_248 = arith.constant 1 : i32
        %xor3A_249 = vector.broadcast %xor3A_248 : i32 to vector<16xi32>
        %xor3A_250 = arith.xori %iota3A, %xor3A_249 : vector<16xi32>
        %reshape3A_251 = vector.shape_cast %xor3A_250 : vector<16xi32> to vector<16x1xi32>
        %gather3A_252 = vector.shape_cast %reshape3A_251 : vector<16x1xi32> to vector<16xi32>
        %gather3A_253 = tpu.dynamic_gather %add3A_247[%gather3A_252] in [0] : vector<16xf32>, vector<16xi32> -> vector<16xf32>
        %add3A_254 = arith.addf %add3A_247, %gather3A_253 : vector<16xf32>
        %xor3A_255 = arith.constant 2 : i32
        %xor3A_256 = vector.broadcast %xor3A_255 : i32 to vector<16xi32>
        %xor3A_257 = arith.xori %iota3A, %xor3A_256 : vector<16xi32>
        %reshape3A_258 = vector.shape_cast %xor3A_257 : vector<16xi32> to vector<16x1xi32>
        %gather3A_259 = vector.shape_cast %reshape3A_258 : vector<16x1xi32> to vector<16xi32>
        %gather3A_260 = tpu.dynamic_gather %add3A_254[%gather3A_259] in [0] : vector<16xf32>, vector<16xi32> -> vector<16xf32>
        %add3A_261 = arith.addf %add3A_254, %gather3A_260 : vector<16xf32>
        %xor3A_262 = arith.constant 4 : i32
        %xor3A_263 = vector.broadcast %xor3A_262 : i32 to vector<16xi32>
        %xor3A_264 = arith.xori %iota3A, %xor3A_263 : vector<16xi32>
        %reshape3A_265 = vector.shape_cast %xor3A_264 : vector<16xi32> to vector<16x1xi32>
        %gather3A_266 = vector.shape_cast %reshape3A_265 : vector<16x1xi32> to vector<16xi32>
        %gather3A_267 = tpu.dynamic_gather %add3A_261[%gather3A_266] in [0] : vector<16xf32>, vector<16xi32> -> vector<16xf32>
        %add3A_268 = arith.addf %add3A_261, %gather3A_267 : vector<16xf32>
        %xor3A_269 = arith.constant 8 : i32
        %xor3A_270 = vector.broadcast %xor3A_269 : i32 to vector<16xi32>
        %xor3A_271 = arith.xori %iota3A, %xor3A_270 : vector<16xi32>
        %reshape3A_272 = vector.shape_cast %xor3A_271 : vector<16xi32> to vector<16x1xi32>
        %gather3A_273 = vector.shape_cast %reshape3A_272 : vector<16x1xi32> to vector<16xi32>
        %gather3A_274 = tpu.dynamic_gather %add3A_268[%gather3A_273] in [0] : vector<16xf32>, vector<16xi32> -> vector<16xf32>
        %add3A_275 = arith.addf %add3A_268, %gather3A_274 : vector<16xf32>
        %mul3A_276 = arith.constant 128 : i32
        %mul3A_277 = arith.muli %scan3A_10, %mul3A_276 : i32
        %add3A_278 = arith.addi %mul3A_277, %scan3A_51 : i32
        %broadcast_in_dim3A = vector.broadcast %add3A_278 : i32 to vector<16xi32>
        tpu.vector_store_idx %arg14[%broadcast_in_dim3A], %add3A_275 masked %eq3A_2 : memref<512xf32, #tpu.memory_space<vmem>>[vector<16xi32>], vector<16xf32>, vector<16xi1>
      }
      %scan3A_50 = arith.constant 128 : i32
    }
    %scan3A_7 = arith.constant 4 : i32
    %mul3A_8 = arith.constant 512 : i32
    %mul3A_9 = arith.muli %add3A, %mul3A_8 : i32
    "tpu.region"() ({
      %run_scoped3A = tpu.sem_alloc : memref<!tpu.dma_semaphore, #tpu.memory_space<semaphore_mem>>
      %dma_start3A = tpu.memref_slice %arg7[%mul3A_9] : memref<16384xf32, #tpu.memory_space<hbm>> -> memref<512xf32, #tpu.memory_space<hbm>>
      %dma_start3A_10 = tpu.memref_slice %arg7[%mul3A_9] : memref<16384xf32, #tpu.memory_space<hbm>> -> memref<512xf32, #tpu.memory_space<hbm>>
      tpu.enqueue_dma source(%arg14 : memref<512xf32, #tpu.memory_space<vmem>>) target(%dma_start3A_10 : memref<512xf32, #tpu.memory_space<hbm>>) target_semaphore(%run_scoped3A : memref<!tpu.dma_semaphore, #tpu.memory_space<semaphore_mem>>)
      %dma_wait3A = tpu.memref_slice %arg7[%mul3A_9] : memref<16384xf32, #tpu.memory_space<hbm>> -> memref<512xf32, #tpu.memory_space<hbm>>
      %dma_wait3A_11 = tpu.memref_slice %arg7[%mul3A_9] : memref<16384xf32, #tpu.memory_space<hbm>> -> memref<512xf32, #tpu.memory_space<hbm>>
      tpu.wait_dma2 semaphore(%run_scoped3A : memref<!tpu.dma_semaphore, #tpu.memory_space<semaphore_mem>>) src(%arg14 : memref<512xf32, #tpu.memory_space<vmem>>) dst(%dma_wait3A_11 : memref<512xf32, #tpu.memory_space<hbm>>)
      tpu.yield
    }) : () -> ()
    return
  }
}

</mosaic_0001>

<sc_bundles>
// kernel: kernel.3.cloned.1.call-start
scs
__scs_entry_jumppad:
0x0: {  	(pc) =	sbr.rel $0x88, $3  }
0x1: {  	(tag) =	ssettag $0x0;
	lr =	simm.s32 $0x1  }
0x2: {  	[smem:$0x3F9E] =	sst lr;
	_ =	strace $0xD0000000  }
0x3: {  	_ = 	snop  }
0x4: {  	_ = 	snop  }
0x5: {  	_ = 	snop  }
0x6: {  	_ = 	snop  }
0x7: {  	_ = 	snop  }
__scs_overlays_trampoline_lowered:
0x8: {  	[smem:$0x3FAD] =	sst s0  }
0x9: {  	[smem:$0x3FAE] =	sst s1  }
0xa: {  	[smem:$0x3FAF] =	sst s2  }
0xb: {  	[smem:$0x3FB0] =	sst s3  }
0xc: {  	[smem:$0x3FB1] =	sst s4  }
0xd: {  	[smem:$0x3FB2] =	sst s5  }
0xe: {  	[smem:$0x3FB3] =	sst s6  }
0xf: {  	[smem:$0x3FB4] =	sst s7  }
0x10: {  	[smem:$0x3FB5] =	sst s8  }
0x11: {  	[smem:$0x3FB6] =	sst s9;
	s0 =	simm.s32 @!p0 $0x0  }
0x12: {  	s1 =	sld [smem:$0x3F9C];
	s0 =	simm.s32 @p0 $0x1  }
0x13: {  	[smem:$0x3FB7] =	sst s0;
	s0 =	simm.s32 @!p1 $0x0  }
0x14: {  	s2 =	sld [smem:$0x3F9B];
	s0 =	simm.s32 @p1 $0x1  }
0x15: {  	[smem:$0x3FB8] =	sst s0;
	s0 =	simm.s32 @!p2 $0x0  }
0x16: {  	s3 =	sld [smem:$0x3FDB];
	s0 =	simm.s32 @p2 $0x1  }
0x17: {  	s4 =	simm.s32 $0x1BF5;
	[smem:$0x3FBA] =	sst s0  }
0x18: {  	s0 =	sld [smem:$0x3F9D];
	_ =	swait.ge [sflag:s4], $0x0  }
0x19: {  	s7 =	sld [smem:$0x3F9E]  }
0x1a: {  	s8 =	sadd.s32 $0xFFFFE003, lr  }
0x1b: {  	s9 =	sadd.s32 $0xFFFFFEF7, lr;
	s5 =	simm.s32 $0xFFFFFFFF;
	p2 =	slt.u32 s8, $0xFFFFF086  }
0x1c: {  	p1 =	slt.u32 s9, $0xF7A;
	s5 =	simm.s32 @!p2 $0x0  }
0x1d: {  	s5 =	simm.s32 @p1 $0x1;
	p0 =	seq.s32 s7, s2  }
0x1e: {  	s7 =	smul.u32 @!p0 $0xF7A, s2;
	p2 =	seq.s32 @!p0 s5, $0x0  }
0x1f: {  	s9 =	smul.u32 $0xF7A, s1;
	s8 =	simm.s32 @!p0 $0x1BF5;
	p2 =	por !p2, p0  }
0x20: {  	[sflag:s8] =	ssyncset.s32 @!p0 $0xFFFFF086;
	s6 =	sadd.s32 @!p0 s3, s7;
	s7 =	simm.s32 @!p0 $0x108  }
0x21: {  	s3 =	sadd.s32 s3, s9;
	s6 =	sadd.s32 @!p0 $0x88, s6;
	s7 =	simm.s32 @p2 $0x1082  }
0x22: {  	[simem:s7], [sflag:s8] =	dma.local @!p0 [hbm:s6], $0xF7A  }
0x23: {  	s9 =	sor.u32 $0xD0000000, s2;
	s6 =	simm.s32 $0x108;
	_ =	swait.ge @!p0 [sflag:s8], $0x0  }
0x24: {  	s3 =	sadd.s32 $0x88, s3;
	s6 =	simm.s32 @!p1 $0x1082;
	[sflag:s4] =	ssyncset.s32 $0xFFFFF086  }
0x25: {  	[simem:s6], [sflag:s4] =	dma.local [hbm:s3], $0xF7A  }
0x26: {  	[smem:$0x3F9E] =	sst s1;
	(tag) =	ssettag s2;
	_ =	strace s9  }
0x27: {  	s1 =	sld [smem:$0x3FAE]  }
0x28: {  	s2 =	sld [smem:$0x3FAF]  }
0x29: {  	s4 =	sld [smem:$0x3FB1]  }
0x2a: {  	p0 =	seq.s32 s5, $0x0;
	s5 =	sld [smem:$0x3FB2]  }
0x2b: {  	s6 =	sld [smem:$0x3FB3]  }
0x2c: {  	s7 =	sld [smem:$0x3FB4]  }
0x2d: {  	s3 =	simm.s32 $0x108;
	s8 =	sld [smem:$0x3FB5]  }
0x2e: {  	s3 =	simm.s32 @!p0 $0x1082;
	s9 =	sld [smem:$0x3FB6]  }
0x2f: {  	lr =	sadd.s32 s0, s3;
	s0 =	sld [smem:$0x3FAD]  }
0x30: {  	s3 =	sld [smem:$0x3FB0]  }
0x31: {  	[smem:$0x3FB9] =	sst s10  }
0x32: {  	s10 =	sld [smem:$0x3FB7];
	_ =	sdelay $0x3  }
0x33: {  	p0 =	seq.s32 s10, $0x1;
	s10 =	sld [smem:$0x3FB9];
	_ =	sdelay $0x3  }
0x34: {  	[smem:$0x3FB9] =	sst s10  }
0x35: {  	s10 =	sld [smem:$0x3FB8];
	_ =	sdelay $0x3  }
0x36: {  	p1 =	seq.s32 s10, $0x1;
	s10 =	sld [smem:$0x3FB9];
	_ =	sdelay $0x3  }
0x37: {  	[smem:$0x3FB9] =	sst s10  }
0x38: {  	s10 =	sld [smem:$0x3FBA]  }
0x39: {  	_ = 	snop;
	(pc) =	sbr.ind lr, $3  }
0x3a: {  	_ = 	snop  }
0x3b: {  	_ = 	snop  }
0x3c: {  	p2 =	seq.s32 s10, $0x1;
	s10 =	sld [smem:$0x3FB9]  }
0x3d: {  	_ =	shalt  }
0x3e: {  	_ =	shalt  }
0x3f: {  	_ =	shalt  }
0x40: {  	_ =	shalt  }
0x41: {  	_ =	shalt  }
0x42: {  	_ =	shalt  }
0x43: {  	_ =	shalt  }
0x44: {  	_ =	shalt  }
0x45: {  	_ =	shalt  }
0x46: {  	_ =	shalt  }
0x47: {  	_ =	shalt  }
0x48: {  	_ =	shalt  }
0x49: {  	_ =	shalt  }
0x4a: {  	_ =	shalt  }
0x4b: {  	_ =	shalt  }
0x4c: {  	_ =	shalt  }
0x4d: {  	_ =	shalt  }
0x4e: {  	_ =	shalt  }
0x4f: {  	_ =	shalt  }
0x50: {  	_ =	shalt  }
0x51: {  	_ =	shalt  }
0x52: {  	_ =	shalt  }
0x53: {  	_ =	shalt  }
0x54: {  	_ =	shalt  }
0x55: {  	_ =	shalt  }
0x56: {  	_ =	shalt  }
0x57: {  	_ =	shalt  }
0x58: {  	_ =	shalt  }
0x59: {  	_ =	shalt  }
0x5a: {  	_ =	shalt  }
0x5b: {  	_ =	shalt  }
0x5c: {  	_ =	shalt  }
0x5d: {  	_ =	shalt  }
0x5e: {  	_ =	shalt  }
0x5f: {  	_ =	shalt  }
0x60: {  	_ =	shalt  }
0x61: {  	_ =	shalt  }
0x62: {  	_ =	shalt  }
0x63: {  	_ =	shalt  }
0x64: {  	_ =	shalt  }
0x65: {  	_ =	shalt  }
0x66: {  	_ =	shalt  }
0x67: {  	_ =	shalt  }
0x68: {  	_ =	shalt  }
0x69: {  	_ =	shalt  }
0x6a: {  	_ =	shalt  }
0x6b: {  	_ =	shalt  }
0x6c: {  	_ =	shalt  }
0x6d: {  	_ =	shalt  }
0x6e: {  	_ =	shalt  }
0x6f: {  	_ =	shalt  }
0x70: {  	_ =	shalt  }
0x71: {  	_ =	shalt  }
0x72: {  	_ =	shalt  }
0x73: {  	_ =	shalt  }
0x74: {  	_ =	shalt  }
0x75: {  	_ =	shalt  }
0x76: {  	_ =	shalt  }
0x77: {  	_ =	shalt  }
0x78: {  	_ =	shalt  }
0x79: {  	_ =	shalt  }
0x7a: {  	_ =	shalt  }
0x7b: {  	_ =	shalt  }
0x7c: {  	_ =	shalt  }
0x7d: {  	_ =	shalt  }
0x7e: {  	_ =	shalt  }
0x7f: {  	_ =	shalt  }
0x80: {  	_ =	shalt  }
0x81: {  	_ =	shalt  }
0x82: {  	_ =	shalt  }
0x83: {  	_ =	shalt  }
0x84: {  	_ =	shalt  }
0x85: {  	_ =	shalt  }
0x86: {  	_ =	shalt  }
0x87: {  	_ =	shalt  }
.Lfunc_end0:
.L_simem_size_0:
called_computation_lowered:
.L_overlay_start_0:
0x88: {  	s2 =	sld [smem:$0x3FD9]  }
0x89: {  	s3 =	sld [smem:$0x3FFE];
	_ =	sdelay $0x1  }
0x8a: {  	s1 =	srdreg.scid  }
0x8b: {  	s0 =	sand.u32 $0x1, s1  }
0x8c: {  	s17 =	sshll.u32 s0, $0xA;
	s2 =	sadd.s32 s3, s2  }
0x8d: {  	s2 =	sadd.s32 s2, s17  }
0x8e: {  	[smem:$0x3FC5] =	sst s2  }
0x8f: {  	_ = 	snop  }
0x90: {  	s2 =	sld [smem:$0x3FD0];
	(tm) =	ssettm $0x1  }
0x91: {  	s18 =	sld [smem:$0x3FFB];
	_ =	sdelay $0x3  }
0x92: {  	_ =	strace s18  }
0x93: {  	s3 =	sld [smem:$0x3FFC];
	_ =	sdelay $0x3  }
0x94: {  	_ =	strace s3  }
0x95: {  	s3 =	sld [smem:$0x3FFD];
	_ =	sdelay $0x3  }
0x96: {  	_ =	strace s3  }
0x97: {  	_ =	strace $0x8FFFFFFF  }
0x98: {  	s19 =	sld [smem:$0x3FDB];
	_ =	sdelay $0x1  }
0x99: {  	s4 =	simm.s32 $_scs_section_size  }
0x9a: {  	s5 =	simm.s32 $_size__tile_overlayer_lowered;
	s6 =	simm.s32 $_tile_overlayer_lowered  }
0x9b: {  	s22 =	simm.s32 $0x1BFF;
	s21 =	sshll.u32 s6, $0x1;
	s3 =	sadd.s32 s4, s19  }
0x9c: {  	s7 =	simm.s32 $0x0;
	s20 =	sshll.u32 s5, $0x1;
	s5 =	sadd.s32 s21, s3  }
0x9d: {  	[timem:s7], [sflag:s22] =	dma.local [hbm:s5], s20  }
0x9e: {  	_ =	swait.ge [sflag:s22], s20  }
0x9f: {  	s4 =	ssub.s32 $0x0, s20;
	[sflag:s22] =	ssyncset.done $0x0  }
0xa0: {  	[sflag:s22] =	ssyncadd.s32 s4;
	_ =	sdelay $0x1  }
0xa1: {  	s23 =	simm.s32 $0x1B8B  }
0xa2: {  	_ =	swait.ge [sflag:s23], $0x1  }
0xa3: {  	[sflag:s23] =	ssyncset.done $0x0  }
0xa4: {  	s25 =	simm.s32 $0x1B8E;
	s24 =	sld [smem:$0x3FFE];
	[sflag:s23] =	ssyncadd.s32 $0xFFFFFFFF  }
0xa5: {  	s26 =	simm.s32 $execute0_lowered;
	[smem:$0x3FD2] =	sst s25  }
0xa6: {  	s5 =	sshll.u32 s26, $0x1;
	_ =	strace $0x80000046;
	[dreg:$0x1] =	wrdreg $0xFFFFFFFF  }
0xa7: {  	s28 =	simm.s32 $_size_execute0_lowered;
	s3 =	sadd.s32 s3, s5;
	[dreg:$0x0] =	wrdreg $0x0  }
0xa8: {  	s5 =	sshll.u32 s28, $0x1;
	[dreg:$0x2] =	wrdreg s3  }
0xa9: {  	[dreg:$0x3] =	wrdreg s5  }
0xaa: {  	[dreg:$0x4] =	wrdreg $0xC0  }
0xab: {  	_ =	task [dreg:s7], $0x5FFFF  }
0xac: {  	[dreg:$0x1] =	wrdreg $0xFFFFFFFF  }
0xad: {  	[dreg:$0x0] =	wrdreg $0x60  }
0xae: {  	[dreg:$0x2] =	wrdreg s24  }
0xaf: {  	[dreg:$0x3] =	wrdreg s2  }
0xb0: {  	[dreg:$0x4] =	wrdreg $0x9  }
0xb1: {  	_ =	task.clear_ibuf [dreg:s7], $0x5FFFF;
	_ =	strace $0x90000046  }
0xb2: {  	s29 =	simm.s32 $0x9;
	_ =	strace $0x80000048  }
0xb3: {  	_ =	swait.ge [sflag:s29], $0x1  }
0xb4: {  	[sflag:s29] =	ssyncadd.s32 $0xFFFFFFFF  }
0xb5: {  	_ =	strace $0x90000048  }
0xb6: {  	_ =	sfence  }
0xb7: {  	s30 =	sld [smem:$0x0];
	_ =	sdelay $0x2  }
0xb8: {  	s31 =	sshll.u32 s1, $0xD;
	s1 =	sshrl.u32 s1, $0x2  }
0xb9: {  	s3 =	sand.u32 $0x4000, s31;
	s1 =	sadd.s32 s1, s30  }
0xba: {  	s0 =	sor.u32 s3, s0;
	s1 =	sshll.u32 s1, $0x11  }
0xbb: {  	s0 =	sor.u32 s1, s0  }
0xbc: {  	s0 =	sadd.s32 $0x8F2B, s0  }
0xbd: {  	[sflag:s0] =	ssyncadd.remote.s32 $0x1  }
0xbe: {  	_ =	sfence.sel $0xFFFF  }
0xbf: {  	[dreg:$0x0] =	wrdreg $0xFFFFFFFF;
	(pc) =	sbr.abs _section_cstart, $3  }
0xc0: {  	[dreg:$0x1] =	wrdreg $0xFFFFFFFF  }
0xc1: {  	_ =	task.clear_ibuf [dreg:s7], $0x2FFFF;
	_ =	strace $0x9FFFFFFF  }
0xc2: {  	(tm) =	ssettm $0x7FFFFFFF  }
0xc3: {  	_ =	shalt  }
tec
execute0_lowered:
.L_overlay_start_1:
0x0: {  	(tag) =	ssettag $0x1  }
0x1: {  	v0 =	vimm.s32 $0xEFCDAB89;
	s4 =	rddreg [dreg:$0x0];
	v1 =	vimm.s32 $0x67452301  }
0x2: {  	v2 =	vimm.s32 $0xDCFE98BA;
	s8 =	rddreg [dreg:$0x1];
	s2 =	srdreg.scid;
	v3 =	vimm.s32 $0x54761032;
	v4 =	vimm.s32 $0xBA98FEDC  }
0x3: {  	s0 =	rddreg [dreg:$0x2];
	s1 =	stileid.u32;
	v5 =	vimm.s32 $0x32107654;
	v6 =	vimm.s32 $0xFEDCBA98;
	s11 =	simm.s32 $0x200  }
0x4: {  	v7 =	vimm.s32 $0x76543210;
	s12 =	simm.s32 $0x400;
	s13 =	simm.s32 $0x80;
	s14 =	simm.s32 $0x600;
	v0 =	vunpack.c.l.s4.s8 v0;
	v1 =	vunpack.c.l.s4.s8 v1  }
0x5: {  	s15 =	simm.s32 $0x4600;
	s16 =	simm.s32 $0x8600;
	s17 =	simm.s32 $0x1;
	v2 =	vunpack.c.l.s4.s8 v2;
	v3 =	vunpack.c.l.s4.s8 v3;
	v4 =	vunpack.c.l.s4.s8 v4  }
0x6: {  	s18 =	simm.s32 $0xC600;
	s19 =	simm.s32 $0x0;
	s3 =	sand.u32 $0x1, s2;
	v5 =	vunpack.c.l.s4.s8 v5;
	v6 =	vunpack.c.l.s4.s8 v6;
	v7 =	vunpack.c.l.s4.s8 v7  }
0x7: {  	s2 =	simm.s32 $0x0;
	s5 =	sshll.u32 s1, $0x7;
	s6 =	sshll.u32 s3, $0x6;
	v0 =	vunpack.c.0.s8.s32 v0;
	v1 =	vunpack.c.0.s8.s32 v1;
	v2 =	vunpack.c.0.s8.s32 v2  }
0x8: {  	[smem:$0x7FF] =	sst s2;
	s30 =	ssub.s32 $0x2, s3;
	s3 =	sadd.s32 $0x1E86600, s4;
	v3 =	vunpack.c.0.s8.s32 v3;
	v4 =	vunpack.c.0.s8.s32 v4;
	v5 =	vunpack.c.0.s8.s32 v5  }
0x9: {  	s9 =	sor.u32 s6, s5;
	_ =	strace $0x80000047;
	s31 =	sshrl.u32 s30, $0x1;
	v0 =	vcombine.low v1, v0;
	v1 =	vunpack.c.0.s8.s32 v6  }
0xa: {  	s7 =	sadd.s32 s9, s4;
	s4 =	sadd.s32 $0x1E00, s4;
	s10 =	ssub.s32 s30, s31;
	v2 =	vcombine.low v3, v2;
	v3 =	vcombine.low v5, v4;
	v4 =	vunpack.c.0.s8.s32 v7  }
0xb: {  	s8 =	sadd.s32 s8, s9;
	s5 =	sadd.s32 $0x1600, s7;
	s6 =	sadd.s32 $0xE00, s7;
	v0 =	vand.u32 $0xF, v0;
	v5 =	vand.u32 $0xF, v1  }
0xc: {  	s7 =	sadd.s32 $0x600, s7;
	s9 =	smax.u32 s10, $0x1;
	s10 =	simm.s32 $0x2;
	v1 =	vand.u32 $0xF, v2;
	v2 =	vand.u32 $0xF, v3;
	v3 =	vcombine.low v5, v4  }
.LBB2_1:
0xd: {  	[tilespmem:s2], [sflag:$0x2] =	stream.linear.gather [hbm4b:s5+s2], $0x200, $0x38;
	[tilespmem:$0xC800] =	vst v63  }
0xe: {  	_ =	swait.ge [sflag:s10], $0x200  }
0xf: {  	[sflag:s10] =	ssyncset.done $0x0  }
0x10: {  	[sflag:s10] =	ssyncadd.s32 $0xFFFFFE00  }
0x11: {  	[tilespmem:s11], [sflag:$0x2] =	stream.linear.gather [hbm4b:s6+s2], $0x200, $0x38;
	[tilespmem:$0xC800] =	vst v63  }
0x12: {  	_ =	swait.ge [sflag:s10], $0x200  }
0x13: {  	[sflag:s10] =	ssyncset.done $0x0  }
0x14: {  	[sflag:s10] =	ssyncadd.s32 $0xFFFFFE00  }
0x15: {  	[tilespmem:s12], [sflag:$0x2] =	stream.linear.gather [hbm4b:s7+s2], $0x200, $0x38;
	[tilespmem:$0xC800] =	vst v63  }
0x16: {  	_ =	swait.ge [sflag:s10], $0x200  }
0x17: {  	[sflag:s10] =	ssyncset.done $0x0  }
0x18: {  	s20 =	simm.s32 $0x0;
	s21 =	simm.s32 $0x0;
	[sflag:s10] =	ssyncadd.s32 $0xFFFFFE00  }
.LBB2_2:
0x19: {  	s22 =	sshll.u32 s21, $0x7  }
0x1a: {  	[tilespmem:s14], [sflag:$0x1] =	stream.indirect.gather [hbm4b:s3+s13], $0x80, s22, s13, $0xb8;
	[tilespmem:$0xC800] =	vst v63  }
0x1b: {  	s23 =	sadd.s32 $0x200, s22  }
0x1c: {  	[tilespmem:s15], [sflag:$0x1] =	stream.indirect.gather [hbm4b:s3+s13], $0x80, s23, s13, $0xb8;
	[tilespmem:$0xC800] =	vst v63  }
0x1d: {  	s22 =	sadd.s32 $0x400, s22  }
0x1e: {  	[tilespmem:s16], [sflag:$0x1] =	stream.indirect.gather [hbm4b:s4+s13], $0x80, s22, s13, $0xb8;
	[tilespmem:$0xC800] =	vst v63  }
0x1f: {  	_ =	swait.ge [sflag:s17], $0x4000  }
0x20: {  	[sflag:s17] =	ssyncset.done $0x0  }
0x21: {  	[sflag:s17] =	ssyncadd.s32 $0xFFFFC000  }
0x22: {  	_ =	swait.ge [sflag:s17], $0x4000  }
0x23: {  	[sflag:s17] =	ssyncset.done $0x0  }
0x24: {  	[sflag:s17] =	ssyncadd.s32 $0xFFFFC000  }
0x25: {  	_ =	swait.ge [sflag:s17], $0x4000  }
0x26: {  	[sflag:s17] =	ssyncset.done $0x0  }
0x27: {  	s31 =	simm.s32 $0x0;
	[sflag:s17] =	ssyncadd.s32 $0xFFFFC000  }
0x28: {  	v4 =	vld [tilespmem:s31+$0x4610]  }
0x29: {  	v5 =	vld [tilespmem:s31+$0x610]  }
0x2a: {  	v6 =	vld [tilespmem:s31+$0x600]  }
0x2b: {  	v7 =	vld [tilespmem:s31+$0x4600]  }
0x2c: {  	v8 =	vld [tilespmem:s31+$0x620]  }
0x2d: {  	v9 =	vld [tilespmem:s31+$0x4620]  }
0x2e: {  	v10 =	vld [tilespmem:s31+$0x630]  }
0x2f: {  	v11 =	vld [tilespmem:s31+$0x4630];
	v12 =	vmul.f32 v6, v6;
	v13 =	vmul.f32 v5, v5  }
0x30: {  	v14 =	vmul.f32 v7, v7;
	v15 =	vmul.f32 v4, v4  }
0x31: {  	v53 =	vmul.f32 v8, v8;
	v12 =	vadd.f32 v13, v12  }
0x32: {  	v54 =	vmul.f32 v9, v9;
	v14 =	vadd.f32 v15, v14  }
0x33: {  	v55 =	vmul.f32 v10, v10;
	v12 =	vadd.f32 v53, v12  }
0x34: {  	v56 =	vmul.f32 v11, v11;
	v14 =	vadd.f32 v54, v14  }
0x35: {  	v12 =	vadd.f32 v55, v12  }
0x36: {  	v57 =	vadd.f32 v56, v14  }
0x37: {  	v58 =	vperm.xlane v12, v0  }
0x38: {  	v15 =	vperm.xlane v57, v0  }
0x39: {  	v12 =	vadd.f32 v58, v12  }
0x3a: {  	v13 =	vadd.f32 v15, v57  }
0x3b: {  	v14 =	vperm.xlane v12, v1  }
0x3c: {  	v15 =	vperm.xlane v13, v1  }
0x3d: {  	v12 =	vadd.f32 v14, v12  }
0x3e: {  	v13 =	vadd.f32 v15, v13  }
0x3f: {  	v14 =	vperm.xlane v12, v2  }
0x40: {  	v15 =	vperm.xlane v13, v2  }
0x41: {  	v12 =	vadd.f32 v14, v12  }
0x42: {  	v13 =	vadd.f32 v15, v13  }
0x43: {  	v14 =	vperm.xlane v12, v3  }
0x44: {  	v15 =	vperm.xlane v13, v3  }
0x45: {  	v12 =	vadd.f32 v14, v12  }
0x46: {  	v13 =	vadd.f32 v15, v13  }
0x47: {  	v14 =	vshra.s32 v12, $0x1  }
0x48: {  	v15 =	vshra.s32 v13, $0x1;
	v14 =	vsub.s32 $0x5F3759DF, v14  }
0x49: {  	v15 =	vsub.s32 $0x5F3759DF, v15;
	v16 =	vmul.f32 v14, v12  }
0x4a: {  	v17 =	vmul.f32 v15, v13  }
0x4b: {  	v16 =	vmul.f32 v14, v16  }
0x4c: {  	v17 =	vmul.f32 v15, v17  }
0x4d: {  	v16 =	vmul.f32 $5.000000000e-01, v16  }
0x4e: {  	v17 =	vmul.f32 $5.000000000e-01, v17  }
0x4f: {  	v16 =	vsub.f32 $1.500000000e+00, v16  }
0x50: {  	v17 =	vsub.f32 $1.500000000e+00, v17  }
0x51: {  	v14 =	vmul.f32 v14, v16  }
0x52: {  	v15 =	vmul.f32 v15, v17  }
0x53: {  	v16 =	vmul.f32 v14, v12  }
0x54: {  	v17 =	vmul.f32 v15, v13  }
0x55: {  	v16 =	vmul.f32 v16, v14  }
0x56: {  	v17 =	vmul.f32 v17, v15  }
0x57: {  	v16 =	vmul.f32 $5.000000000e-01, v16  }
0x58: {  	v17 =	vmul.f32 $5.000000000e-01, v17  }
0x59: {  	v16 =	vsub.f32 $1.500000000e+00, v16  }
0x5a: {  	v17 =	vsub.f32 $1.500000000e+00, v17  }
0x5b: {  	v14 =	vmul.f32 v16, v14  }
0x5c: {  	v15 =	vmul.f32 v17, v15  }
0x5d: {  	v12 =	vmul.f32 v14, v12  }
0x5e: {  	v13 =	vmul.f32 v15, v13  }
0x5f: {  	v12 =	vmul.f32 v12, v14  }
0x60: {  	v13 =	vmul.f32 v13, v15  }
0x61: {  	v12 =	vmul.f32 $5.000000000e-01, v12  }
0x62: {  	v13 =	vmul.f32 $5.000000000e-01, v13  }
0x63: {  	v12 =	vsub.f32 $1.500000000e+00, v12  }
0x64: {  	v59 =	vld [tilespmem:s31+$0x8600];
	v13 =	vsub.f32 $1.500000000e+00, v13  }
0x65: {  	v60 =	vld [tilespmem:s31+$0x8610];
	v12 =	vmul.f32 v12, v14  }
0x66: {  	v61 =	vld [tilespmem:s31+$0x8620];
	v13 =	vmul.f32 v13, v15  }
0x67: {  	v12 =	vmin.f32 v12, $9.999999950e+11  }
0x68: {  	v62 =	vld [tilespmem:s31+$0x8630];
	v13 =	vmin.f32 v13, $9.999999950e+11;
	v6 =	vmul.f32 v12, v6;
	v5 =	vmul.f32 v12, v5  }
0x69: {  	v7 =	vmul.f32 v13, v7;
	v8 =	vmul.f32 v12, v8  }
0x6a: {  	v4 =	vmul.f32 v13, v4;
	v6 =	vadd.f32 v6, v59;
	v5 =	vadd.f32 v5, v60  }
0x6b: {  	v10 =	vmul.f32 v12, v10;
	v8 =	vadd.f32 v8, v61  }
0x6c: {  	v6 =	vsub.f32 v6, v7;
	v4 =	vsub.f32 v5, v4;
	v5 =	vmul.f32 v13, v9  }
0x6d: {  	v63 =	vmul.f32 v13, v11;
	v7 =	vadd.f32 v10, v62  }
0x6e: {  	v6 =	vand.u32 $0x7FFFFFFF, v6;
	v4 =	vand.u32 $0x7FFFFFFF, v4;
	v5 =	vsub.f32 v8, v5  }
0x6f: {  	v4 =	vadd.f32 v4, v6  }
0x70: {  	v6 =	vsub.f32 v7, v63;
	v5 =	vand.u32 $0x7FFFFFFF, v5  }
0x71: {  	v4 =	vadd.f32 v4, v5  }
0x72: {  	v5 =	vand.u32 $0x7FFFFFFF, v6  }
0x73: {  	v4 =	vadd.f32 v4, v5;
	_ =	sdelay $0x1  }
0x74: {  	v5 =	vperm.xlane v4, v0;
	_ =	sdelay $0x1  }
0x75: {  	v4 =	vadd.f32 v4, v5;
	_ =	sdelay $0x1  }
0x76: {  	v5 =	vperm.xlane v4, v1;
	_ =	sdelay $0x1  }
0x77: {  	v4 =	vadd.f32 v4, v5;
	_ =	sdelay $0x1  }
0x78: {  	v5 =	vperm.xlane v4, v2;
	_ =	sdelay $0x1  }
0x79: {  	v4 =	vadd.f32 v4, v5  }
0x7a: {  	v5 =	vmov s20  }
0x7b: {  	v6 =	vperm.xlane v4, v3;
	_ =	sdelay $0x1  }
0x7c: {  	v4 =	vadd.f32 v4, v6;
	_ =	sdelay $0x1  }
0x7d: {  	s23 =	simm.s32 $0x80;
	[tilespmem:v5+s18+$0x0] =	vst.idx.msk $0x1, v4  }
0x7e: {  	v4 =	vld [tilespmem:s23+$0x4610]  }
0x7f: {  	s24 =	simm.s32 $0x400;
	s22 =	smov.u32 s20;
	v5 =	vld [tilespmem:s23+$0x610]  }
.LBB2_3:
0x80: {  	p0 =	sne.s32 s24, $0xFE00;
	v10 =	vld [tilespmem:s23+$0x600]  }
0x81: {  	v9 =	vld [tilespmem:s23+$0x4600]  }
0x82: {  	v11 =	vld [tilespmem:s23+$0x620]  }
0x83: {  	v6 =	vld [tilespmem:s23+$0x4620]  }
0x84: {  	v8 =	vld [tilespmem:s23+$0x630]  }
0x85: {  	v13 =	vmul.f32 v5, v5;
	v7 =	vld [tilespmem:s23+$0x4630];
	v12 =	vmul.f32 v10, v10  }
0x86: {  	v15 =	vmul.f32 v4, v4;
	v14 =	vmul.f32 v9, v9  }
0x87: {  	v12 =	vadd.f32 v13, v12;
	v13 =	vmul.f32 v11, v11  }
0x88: {  	v14 =	vadd.f32 v15, v14;
	v15 =	vmul.f32 v6, v6  }
0x89: {  	v12 =	vadd.f32 v13, v12;
	v13 =	vmul.f32 v8, v8  }
0x8a: {  	v14 =	vadd.f32 v15, v14;
	v15 =	vmul.f32 v7, v7  }
0x8b: {  	v12 =	vadd.f32 v13, v12  }
0x8c: {  	v13 =	vadd.f32 v15, v14  }
0x8d: {  	v14 =	vperm.xlane v12, v0  }
0x8e: {  	v15 =	vperm.xlane v13, v0  }
0x8f: {  	v12 =	vadd.f32 v14, v12  }
0x90: {  	v13 =	vadd.f32 v15, v13  }
0x91: {  	v14 =	vperm.xlane v12, v1  }
0x92: {  	v15 =	vperm.xlane v13, v1  }
0x93: {  	v12 =	vadd.f32 v14, v12  }
0x94: {  	v13 =	vadd.f32 v15, v13  }
0x95: {  	v14 =	vperm.xlane v12, v2  }
0x96: {  	v15 =	vperm.xlane v13, v2  }
0x97: {  	v12 =	vadd.f32 v14, v12  }
0x98: {  	v13 =	vadd.f32 v15, v13  }
0x99: {  	v14 =	vperm.xlane v12, v3  }
0x9a: {  	v15 =	vperm.xlane v13, v3  }
0x9b: {  	v12 =	vadd.f32 v14, v12  }
0x9c: {  	v13 =	vadd.f32 v15, v13  }
0x9d: {  	v14 =	vshra.s32 v12, $0x1  }
0x9e: {  	v14 =	vsub.s32 $0x5F3759DF, v14;
	v15 =	vshra.s32 v13, $0x1  }
0x9f: {  	v16 =	vmul.f32 v14, v12;
	v15 =	vsub.s32 $0x5F3759DF, v15  }
0xa0: {  	v17 =	vmul.f32 v15, v13  }
0xa1: {  	v16 =	vmul.f32 v14, v16  }
0xa2: {  	v17 =	vmul.f32 v15, v17  }
0xa3: {  	v16 =	vmul.f32 $5.000000000e-01, v16  }
0xa4: {  	v17 =	vmul.f32 $5.000000000e-01, v17  }
0xa5: {  	v16 =	vsub.f32 $1.500000000e+00, v16  }
0xa6: {  	v17 =	vsub.f32 $1.500000000e+00, v17  }
0xa7: {  	v14 =	vmul.f32 v14, v16  }
0xa8: {  	v15 =	vmul.f32 v15, v17  }
0xa9: {  	v16 =	vmul.f32 v14, v12  }
0xaa: {  	v17 =	vmul.f32 v15, v13  }
0xab: {  	v16 =	vmul.f32 v16, v14  }
0xac: {  	v17 =	vmul.f32 v17, v15  }
0xad: {  	v16 =	vmul.f32 $5.000000000e-01, v16  }
0xae: {  	v17 =	vmul.f32 $5.000000000e-01, v17  }
0xaf: {  	v16 =	vsub.f32 $1.500000000e+00, v16  }
0xb0: {  	v17 =	vsub.f32 $1.500000000e+00, v17  }
0xb1: {  	v14 =	vmul.f32 v16, v14  }
0xb2: {  	v15 =	vmul.f32 v17, v15  }
0xb3: {  	v12 =	vmul.f32 v14, v12  }
0xb4: {  	v13 =	vmul.f32 v15, v13  }
0xb5: {  	v12 =	vmul.f32 v12, v14  }
0xb6: {  	v13 =	vmul.f32 v13, v15  }
0xb7: {  	v12 =	vmul.f32 $5.000000000e-01, v12  }
0xb8: {  	v13 =	vmul.f32 $5.000000000e-01, v13  }
0xb9: {  	v12 =	vsub.f32 $1.500000000e+00, v12  }
0xba: {  	v16 =	vld [tilespmem:s23+$0x8600];
	v13 =	vsub.f32 $1.500000000e+00, v13  }
0xbb: {  	v17 =	vld [tilespmem:s23+$0x8610];
	v12 =	vmul.f32 v12, v14  }
0xbc: {  	v14 =	vld [tilespmem:s23+$0x8620];
	v13 =	vmul.f32 v13, v15  }
0xbd: {  	v12 =	vmin.f32 v12, $9.999999950e+11  }
0xbe: {  	v15 =	vld [tilespmem:s23+$0x8630];
	v13 =	vmin.f32 v13, $9.999999950e+11;
	v10 =	vmul.f32 v12, v10;
	v5 =	vmul.f32 v12, v5  }
0xbf: {  	v11 =	vmul.f32 v12, v11;
	v9 =	vmul.f32 v13, v9  }
0xc0: {  	v4 =	vmul.f32 v13, v4;
	v10 =	vadd.f32 v10, v16;
	v5 =	vadd.f32 v5, v17  }
0xc1: {  	v8 =	vmul.f32 v12, v8;
	v11 =	vadd.f32 v11, v14  }
0xc2: {  	v9 =	vsub.f32 v10, v9;
	v4 =	vsub.f32 v5, v4;
	v5 =	vmul.f32 v13, v6  }
0xc3: {  	v7 =	vmul.f32 v13, v7;
	v6 =	vadd.f32 v8, v15  }
0xc4: {  	v8 =	vand.u32 $0x7FFFFFFF, v9;
	v4 =	vand.u32 $0x7FFFFFFF, v4;
	v5 =	vsub.f32 v11, v5  }
0xc5: {  	v4 =	vadd.f32 v4, v8  }
0xc6: {  	v6 =	vsub.f32 v6, v7;
	v5 =	vand.u32 $0x7FFFFFFF, v5  }
0xc7: {  	v4 =	vadd.f32 v4, v5  }
0xc8: {  	v5 =	vand.u32 $0x7FFFFFFF, v6  }
0xc9: {  	v4 =	vadd.f32 v4, v5;
	_ =	sdelay $0x1  }
0xca: {  	v5 =	vperm.xlane v4, v0;
	_ =	sdelay $0x1  }
0xcb: {  	v4 =	vadd.f32 v4, v5;
	_ =	sdelay $0x1  }
0xcc: {  	v5 =	vperm.xlane v4, v1;
	_ =	sdelay $0x1  }
0xcd: {  	v4 =	vadd.f32 v4, v5;
	_ =	sdelay $0x1  }
0xce: {  	v5 =	vperm.xlane v4, v2;
	_ =	sdelay $0x1  }
0xcf: {  	s22 =	sadd.s32 $0x1, s22;
	v4 =	vadd.f32 v4, v5  }
0xd0: {  	v5 =	vmov s22  }
0xd1: {  	v6 =	vperm.xlane v4, v3;
	_ =	sdelay $0x1  }
.Ltmp0:
0xd2: {  	v4 =	vadd.f32 v4, v6;
	(pc) =	sbr.rel @p0 .LBB2_3-.Ltmp0, $4  }
0xd3: {  	_ = 	snop  }
0xd4: {  	s23 =	sshra.s32 s24, $0x2;
	[tilespmem:v5+s18+$0x0] =	vst.idx.msk $0x1, v4  }
0xd5: {  	v4 =	vld [tilespmem:s23+$0x4610]  }
0xd6: {  	s24 =	sadd.s32 $0x200, s24;
	v5 =	vld [tilespmem:s23+$0x610]  }
0xd7: {  	v6 =	vld [tilespmem:s23+$0x600]  }
0xd8: {  	v7 =	vld [tilespmem:s23+$0x4600]  }
0xd9: {  	v8 =	vld [tilespmem:s23+$0x620]  }
0xda: {  	v9 =	vld [tilespmem:s23+$0x4620]  }
0xdb: {  	v10 =	vld [tilespmem:s23+$0x630]  }
0xdc: {  	v11 =	vld [tilespmem:s23+$0x4630];
	v13 =	vmul.f32 v5, v5;
	v12 =	vmul.f32 v6, v6  }
0xdd: {  	v15 =	vmul.f32 v4, v4;
	v14 =	vmul.f32 v7, v7  }
0xde: {  	v50 =	vmul.f32 v8, v8;
	v12 =	vadd.f32 v13, v12  }
0xdf: {  	v51 =	vmul.f32 v9, v9;
	v14 =	vadd.f32 v15, v14  }
0xe0: {  	v52 =	vmul.f32 v10, v10;
	v12 =	vadd.f32 v50, v12  }
0xe1: {  	v53 =	vmul.f32 v11, v11;
	v14 =	vadd.f32 v51, v14  }
0xe2: {  	v12 =	vadd.f32 v52, v12  }
0xe3: {  	v54 =	vadd.f32 v53, v14  }
0xe4: {  	v55 =	vperm.xlane v12, v0  }
0xe5: {  	v15 =	vperm.xlane v54, v0  }
0xe6: {  	v12 =	vadd.f32 v55, v12  }
0xe7: {  	v13 =	vadd.f32 v15, v54  }
0xe8: {  	v14 =	vperm.xlane v12, v1  }
0xe9: {  	v15 =	vperm.xlane v13, v1  }
0xea: {  	v12 =	vadd.f32 v14, v12  }
0xeb: {  	v13 =	vadd.f32 v15, v13  }
0xec: {  	v14 =	vperm.xlane v12, v2  }
0xed: {  	v15 =	vperm.xlane v13, v2  }
0xee: {  	v12 =	vadd.f32 v14, v12  }
0xef: {  	v13 =	vadd.f32 v15, v13  }
0xf0: {  	v14 =	vperm.xlane v12, v3  }
0xf1: {  	v15 =	vperm.xlane v13, v3  }
0xf2: {  	v12 =	vadd.f32 v14, v12  }
0xf3: {  	v13 =	vadd.f32 v15, v13  }
0xf4: {  	v14 =	vshra.s32 v12, $0x1  }
0xf5: {  	v15 =	vshra.s32 v13, $0x1;
	v14 =	vsub.s32 $0x5F3759DF, v14  }
0xf6: {  	v15 =	vsub.s32 $0x5F3759DF, v15;
	v16 =	vmul.f32 v14, v12  }
0xf7: {  	v17 =	vmul.f32 v15, v13  }
0xf8: {  	v16 =	vmul.f32 v14, v16  }
0xf9: {  	v17 =	vmul.f32 v15, v17  }
0xfa: {  	v16 =	vmul.f32 $5.000000000e-01, v16  }
0xfb: {  	v17 =	vmul.f32 $5.000000000e-01, v17  }
0xfc: {  	v16 =	vsub.f32 $1.500000000e+00, v16  }
0xfd: {  	v17 =	vsub.f32 $1.500000000e+00, v17  }
0xfe: {  	v14 =	vmul.f32 v14, v16  }
0xff: {  	v15 =	vmul.f32 v15, v17  }
0x100: {  	v16 =	vmul.f32 v14, v12  }
0x101: {  	v17 =	vmul.f32 v15, v13  }
0x102: {  	v16 =	vmul.f32 v16, v14  }
0x103: {  	v17 =	vmul.f32 v17, v15  }
0x104: {  	v16 =	vmul.f32 $5.000000000e-01, v16  }
0x105: {  	v17 =	vmul.f32 $5.000000000e-01, v17  }
0x106: {  	v16 =	vsub.f32 $1.500000000e+00, v16  }
0x107: {  	v17 =	vsub.f32 $1.500000000e+00, v17  }
0x108: {  	v14 =	vmul.f32 v16, v14  }
0x109: {  	v15 =	vmul.f32 v17, v15  }
0x10a: {  	v12 =	vmul.f32 v14, v12  }
0x10b: {  	v13 =	vmul.f32 v15, v13  }
0x10c: {  	v12 =	vmul.f32 v12, v14  }
0x10d: {  	v13 =	vmul.f32 v13, v15  }
0x10e: {  	v12 =	vmul.f32 $5.000000000e-01, v12  }
0x10f: {  	v13 =	vmul.f32 $5.000000000e-01, v13  }
0x110: {  	v12 =	vsub.f32 $1.500000000e+00, v12  }
0x111: {  	v56 =	vld [tilespmem:s23+$0x8600];
	v13 =	vsub.f32 $1.500000000e+00, v13  }
0x112: {  	v57 =	vld [tilespmem:s23+$0x8610];
	v12 =	vmul.f32 v12, v14  }
0x113: {  	v58 =	vld [tilespmem:s23+$0x8620];
	v13 =	vmul.f32 v13, v15  }
0x114: {  	v12 =	vmin.f32 v12, $9.999999950e+11  }
0x115: {  	v59 =	vld [tilespmem:s23+$0x8630];
	v13 =	vmin.f32 v13, $9.999999950e+11;
	v6 =	vmul.f32 v12, v6;
	v5 =	vmul.f32 v12, v5  }
0x116: {  	v7 =	vmul.f32 v13, v7;
	v8 =	vmul.f32 v12, v8  }
0x117: {  	v4 =	vmul.f32 v13, v4;
	v6 =	vadd.f32 v6, v56;
	v5 =	vadd.f32 v5, v57  }
0x118: {  	v10 =	vmul.f32 v12, v10;
	v8 =	vadd.f32 v8, v58  }
0x119: {  	v6 =	vsub.f32 v6, v7;
	v4 =	vsub.f32 v5, v4;
	v5 =	vmul.f32 v13, v9  }
0x11a: {  	v61 =	vmul.f32 v13, v11;
	v60 =	vadd.f32 v10, v59  }
0x11b: {  	v6 =	vand.u32 $0x7FFFFFFF, v6;
	v4 =	vand.u32 $0x7FFFFFFF, v4;
	v5 =	vsub.f32 v8, v5  }
0x11c: {  	v4 =	vadd.f32 v4, v6  }
0x11d: {  	v62 =	vsub.f32 v60, v61;
	v5 =	vand.u32 $0x7FFFFFFF, v5  }
0x11e: {  	v4 =	vadd.f32 v4, v5  }
0x11f: {  	v5 =	vand.u32 $0x7FFFFFFF, v62  }
0x120: {  	v4 =	vadd.f32 v4, v5;
	_ =	sdelay $0x1  }
0x121: {  	v5 =	vperm.xlane v4, v0;
	_ =	sdelay $0x1  }
0x122: {  	v4 =	vadd.f32 v4, v5;
	_ =	sdelay $0x1  }
0x123: {  	v5 =	vperm.xlane v4, v1;
	_ =	sdelay $0x1  }
0x124: {  	v4 =	vadd.f32 v4, v5;
	_ =	sdelay $0x1  }
0x125: {  	v5 =	vperm.xlane v4, v2;
	_ =	sdelay $0x1  }
0x126: {  	s22 =	sadd.s32 $0x1, s22;
	s21 =	sadd.s32 $0x1, s21;
	v4 =	vadd.f32 v4, v5  }
0x127: {  	p0 =	sne.s32 s21, $0x4;
	v5 =	vmov s22  }
.Ltmp1:
0x128: {  	v63 =	vperm.xlane v4, v3;
	(pc) =	sbr.rel @p0 .LBB2_2-.Ltmp1, $3  }
0x129: {  	_ = 	snop  }
0x12a: {  	v4 =	vadd.f32 v4, v63;
	_ =	sdelay $0x1  }
0x12b: {  	s20 =	sadd.s32 $0x80, s20;
	[tilespmem:v5+s18+$0x0] =	vst.idx.msk $0x1, v4  }
0x12c: {  	s19 =	sadd.s32 $0x1, s19  }
0x12d: {  	p0 =	sne.s32 s19, s9  }
.Ltmp2:
0x12e: {  	_ = 	snop;
	(pc) =	sbr.rel @p0 .LBB2_1-.Ltmp2, $4  }
0x12f: {  	[hbm4b:s8+s2] =	stream.linear.scatter [tilespmem:s18], [sflag:$0x2], $0x200, $0x38;
	[tilespmem:$0xC800] =	vst v63  }
0x130: {  	_ =	swait.ge [sflag:s10], $0x200  }
0x131: {  	[sflag:s10] =	ssyncset.done $0x0  }
0x132: {  	[sflag:s10] =	ssyncadd.s32 $0xFFFFFE00  }
0x133: {  	_ =	sfence.sel $0x180000  }
0x134: {  	[bflag:$0x0] =	sbarrier.arrive $0xFFFF  }
0x135: {  	p0 =	sne.s32 s1, $0x0;
	_ =	strace $0x90000047  }
0x136: {  	s0 =	sadd.s32 @!p0 $0x100000, s0;
	[bflag:$0x2] =	sbarrier.arrive $0xFFFF  }
0x137: {  	[sflag:s0] =	ssyncadd.tile.s32 @!p0 $0x1;
	_ =	shalt  }
.Lfunc_end2:
_tile_overlayer_lowered:
.L_overlay_start_2:
0x138: {  	(tag) =	ssettag $0x2  }
0x139: {  	s0 =	rddreg [dreg:$0x0];
	s2 =	stileid.u32  }
0x13a: {  	s1 =	rddreg [dreg:$0x1];
	p0 =	sne.s32 s2, $0x0  }
0x13b: {  	s3 =	rddreg [dreg:$0x2];
	[bflag:$0x3] =	sbarrier.arrive $0xFFFF;
	s2 =	simm.s32 @!p0 $0x1C02  }
0x13c: {  	[timem:s3], [sflag:s2] =	dma.local @!p0 [hbm:s0], s1  }
0x13d: {  	s0 =	simm.s32 @!p0 $0x2  }
0x13e: {  	_ =	swait.ge @!p0 [sflag:s0], s1  }
0x13f: {  	s1 =	ssub.s32 @!p0 $0x0, s1;
	[sflag:s0] =	ssyncset.done @!p0 $0x0  }
0x140: {  	[sflag:s0] =	ssyncadd.s32 @!p0 s1  }
0x141: {  	[bflag:$0x3] =	sbarrier.arrive $0xFFFF  }
0x142: {  	_ =	shalt  }

</sc_bundles>
